<compile_context>
chip_gen: v7x
topology: tpu7x:2x2x1
jax: 0.10.2.dev20260603
libtpu: 0.0.44.dev20260713+nightly
codegen_flags: <defaults>
</compile_context>

<pallas_src>
import functools

import jax
import jax.numpy as jnp
from jax import lax
from jax.experimental import pallas as pl
from jax.experimental.pallas import tpu as pltpu
from jax.experimental.pallas import tpu_sc as plsc

NC = 2
NS = 16
NW = NC * NS

CHUNK = 8


@functools.partial(jax.jit, static_argnums=(2, 3))
def _gather_rows(table, idx, n, d):
    b_per_w = n // NW
    n_chunks = b_per_w // CHUNK

    mesh = plsc.VectorSubcoreMesh(core_axis_name="c", subcore_axis_name="s")

    @functools.partial(
        pl.kernel,
        mesh=mesh,
        out_type=jax.ShapeDtypeStruct((n, d), jnp.float32),
        scratch_types=[
            pltpu.VMEM((b_per_w,), jnp.int32),
            pltpu.VMEM((CHUNK, d), jnp.float32),
            pltpu.VMEM((CHUNK, d), jnp.float32),
            pltpu.SemaphoreType.DMA,
            pltpu.SemaphoreType.DMA,
            pltpu.SemaphoreType.DMA,
            pltpu.SemaphoreType.DMA,
        ],
    )
    def k(table_hbm, idx_hbm, out_hbm, idx_v, buf0, buf1,
          gsem0, gsem1, ssem0, ssem1):
        wid = lax.axis_index("s") * NC + lax.axis_index("c")
        base = wid * b_per_w
        pltpu.sync_copy(idx_hbm.at[pl.ds(base, b_per_w)], idx_v)

        bufs = (buf0, buf1)
        gsems = (gsem0, gsem1)
        ssems = (ssem0, ssem1)

        def start_gather(g, b):
            off = pl.multiple_of(g * CHUNK, CHUNK)
            return pltpu.async_copy(
                table_hbm.at[idx_v.at[pl.ds(off, CHUNK)]], bufs[b], gsems[b]
            )

        def start_scatter(g, b):
            off = pl.multiple_of(g * CHUNK, CHUNK)
            return pltpu.async_copy(
                bufs[b], out_hbm.at[pl.ds(base + off, CHUNK)], ssems[b]
            )

        def wait_scatter(b):
            pltpu.make_async_copy(
                bufs[b], out_hbm.at[pl.ds(base, CHUNK)], ssems[b]
            ).wait()

        def wait_gather(b):
            pltpu.make_async_copy(
                table_hbm.at[idx_v.at[pl.ds(0, CHUNK)]], bufs[b], gsems[b]
            ).wait()

        start_gather(0, 0)
        start_gather(1, 1)
        wait_gather(0)
        start_scatter(0, 0)

        def pair_body(p, carry):
            for b in range(2):
                g = p * 2 + b
                wait_scatter(b)
                start_gather(g, b)
                wait_gather(1 - b)
                start_scatter(g - 1, 1 - b)
            return carry

        lax.fori_loop(1, n_chunks // 2, pair_body, 0)

        wait_gather(1)
        start_scatter(n_chunks - 1, 1)
        wait_scatter(0)
        wait_scatter(1)

    return k(table, idx)


def kernel(input, embed_weight):
    b, t = input.shape
    v, d = embed_weight.shape
    idx = input.reshape(b * t).astype(jnp.int32)
    out = _gather_rows(embed_weight, idx, b * t, d)
    return out.reshape(b, t, d)

# --- scband reference (transcript-rebuilt; emitter-appended) ---
"""Pipeline reference for scband-bi-gram-model-37349035606569 (READ-ONLY COPY).

The authoritative reference and input builder live on the scoring server;
editing this copy changes nothing except your own understanding.
"""

import jax, jax.numpy as jnp
import numpy as np

VOCAB = 4096
B = 8
T = 1024

def setup_inputs(seed: int = 0) -> dict:
    key = jax.random.key(seed)
    k_idx, k_w = jax.random.split(key)
    input = jax.random.randint(k_idx, (B, T), 0, VOCAB, dtype=jnp.int64 if jax.config.jax_enable_x64 else jnp.int32)
    embed_weight = jax.random.normal(k_w, (VOCAB, VOCAB), dtype=jnp.float32)
    return {"input": input, "embed_weight": embed_weight}

def reference(input, embed_weight):
    # nn.Embedding(vocab_size, vocab_size): row gather from the table
    logits = jnp.take(embed_weight, input, axis=0)
    return logits

if __name__ == "__main__":
    import jax
    _d = setup_inputs()
    print(jax.jit(kernel)(*tuple(_d.values())))

</pallas_src>

<mosaic_0001>
#map = affine_map<(d0, d1) -> (0, 0)>
#map1 = affine_map<(d0, d1) -> (0)>
module attributes {stable_mosaic.version = 14 : i64} {
  func.func @k(%arg0: i32, %arg1: i32, %arg2: memref<4096x4096xf32, #tpu.memory_space<hbm>>, %arg3: memref<8192xi32, #tpu.memory_space<hbm>>, %arg4: memref<8192x4096xf32, #tpu.memory_space<hbm>>, %arg5: memref<256xi32, #tpu.memory_space<vmem>>, %arg6: memref<8x4096xf32, #tpu.memory_space<vmem>>, %arg7: memref<8x4096xf32, #tpu.memory_space<vmem>>, %arg8: memref<!tpu.dma_semaphore, #tpu.memory_space<semaphore_mem>>, %arg9: memref<!tpu.dma_semaphore, #tpu.memory_space<semaphore_mem>>, %arg10: memref<!tpu.dma_semaphore, #tpu.memory_space<semaphore_mem>>, %arg11: memref<!tpu.dma_semaphore, #tpu.memory_space<semaphore_mem>>) attributes {dimension_semantics = [#tpu.dimension_semantics<core_parallel>, #tpu.dimension_semantics<subcore_parallel>], iteration_bounds = array<i64: 2, 16>, scalar_prefetch = 0 : i64, scratch_operands = 7 : i64, tpu.core_type = #tpu.core_type<sc_vector_subcore>, window_params = [{transform_indices = #map}, {transform_indices = #map1}, {transform_indices = #map}]} {
    %mul3A = arith.constant 2 : i32
    %mul3A_0 = arith.muli %arg1, %mul3A : i32
    %add3A = arith.addi %mul3A_0, %arg0 : i32
    %mul3A_1 = arith.constant 256 : i32
    %mul3A_2 = arith.muli %add3A, %mul3A_1 : i32
    "tpu.region"() ({
      %run_scoped3A = tpu.sem_alloc : memref<!tpu.dma_semaphore, #tpu.memory_space<semaphore_mem>>
      %dma_start3A_49 = tpu.memref_slice %arg3[%mul3A_2] : memref<8192xi32, #tpu.memory_space<hbm>> -> memref<256xi32, #tpu.memory_space<hbm>>
      %dma_start3A_50 = tpu.memref_slice %arg3[%mul3A_2] : memref<8192xi32, #tpu.memory_space<hbm>> -> memref<256xi32, #tpu.memory_space<hbm>>
      tpu.enqueue_dma source(%dma_start3A_50 : memref<256xi32, #tpu.memory_space<hbm>>) target(%arg5 : memref<256xi32, #tpu.memory_space<vmem>>) target_semaphore(%run_scoped3A : memref<!tpu.dma_semaphore, #tpu.memory_space<semaphore_mem>>)
      %dma_wait3A_51 = tpu.memref_slice %arg3[%mul3A_2] : memref<8192xi32, #tpu.memory_space<hbm>> -> memref<256xi32, #tpu.memory_space<hbm>>
      %dma_wait3A_52 = tpu.memref_slice %arg3[%mul3A_2] : memref<8192xi32, #tpu.memory_space<hbm>> -> memref<256xi32, #tpu.memory_space<hbm>>
      tpu.wait_dma2 semaphore(%run_scoped3A : memref<!tpu.dma_semaphore, #tpu.memory_space<semaphore_mem>>) src(%dma_wait3A_52 : memref<256xi32, #tpu.memory_space<hbm>>) dst(%arg5 : memref<256xi32, #tpu.memory_space<vmem>>)
      tpu.yield
    }) : () -> ()
    %multiple_of3A = arith.constant 0 : i32
    %multiple_of3A_3 = tpu.assume_multiple %multiple_of3A, 8 : i32
    %dma_start3A = tpu.memref_slice %arg5[%multiple_of3A_3] : memref<256xi32, #tpu.memory_space<vmem>> -> memref<8xi32, #tpu.memory_space<vmem>>
    %dma_start3A_4 = arith.constant 0 : i32
    %dma_start3A_5 = arith.constant 0 : i32
    %dma_start3A_6 = tpu.memref_slice %arg2[%dma_start3A_4, %dma_start3A_5] : memref<4096x4096xf32, #tpu.memory_space<hbm>> -> memref<4096x4096xf32, #tpu.memory_space<hbm>>
    tpu.enqueue_indirect_dma source(%dma_start3A_6 : memref<4096x4096xf32, #tpu.memory_space<hbm>>) target(%arg6 : memref<8x4096xf32, #tpu.memory_space<vmem>>) offsets(%dma_start3A : memref<8xi32, #tpu.memory_space<vmem>>) semaphore(%arg8 : memref<!tpu.dma_semaphore, #tpu.memory_space<semaphore_mem>>)
    %multiple_of3A_7 = arith.constant 8 : i32
    %multiple_of3A_8 = tpu.assume_multiple %multiple_of3A_7, 8 : i32
    %dma_start3A_9 = tpu.memref_slice %arg5[%multiple_of3A_8] : memref<256xi32, #tpu.memory_space<vmem>> -> memref<8xi32, #tpu.memory_space<vmem>>
    %dma_start3A_10 = arith.constant 0 : i32
    %dma_start3A_11 = arith.constant 0 : i32
    %dma_start3A_12 = tpu.memref_slice %arg2[%dma_start3A_10, %dma_start3A_11] : memref<4096x4096xf32, #tpu.memory_space<hbm>> -> memref<4096x4096xf32, #tpu.memory_space<hbm>>
    tpu.enqueue_indirect_dma source(%dma_start3A_12 : memref<4096x4096xf32, #tpu.memory_space<hbm>>) target(%arg7 : memref<8x4096xf32, #tpu.memory_space<vmem>>) offsets(%dma_start3A_9 : memref<8xi32, #tpu.memory_space<vmem>>) semaphore(%arg9 : memref<!tpu.dma_semaphore, #tpu.memory_space<semaphore_mem>>)
    %dma_wait3A = arith.constant 0 : i32
    %dma_wait3A_13 = tpu.memref_slice %arg5[%dma_wait3A] : memref<256xi32, #tpu.memory_space<vmem>> -> memref<8xi32, #tpu.memory_space<vmem>>
    %dma_wait3A_14 = arith.constant 0 : i32
    %dma_wait3A_15 = arith.constant 0 : i32
    %dma_wait3A_16 = tpu.memref_slice %arg2[%dma_wait3A_14, %dma_wait3A_15] : memref<4096x4096xf32, #tpu.memory_space<hbm>> -> memref<4096x4096xf32, #tpu.memory_space<hbm>>
    tpu.wait_indirect_dma semaphore(%arg8 : memref<!tpu.dma_semaphore, #tpu.memory_space<semaphore_mem>>) src(%dma_wait3A_16 : memref<4096x4096xf32, #tpu.memory_space<hbm>>) dst(%arg6 : memref<8x4096xf32, #tpu.memory_space<vmem>>)
    %multiple_of3A_17 = arith.constant 0 : i32
    %multiple_of3A_18 = tpu.assume_multiple %multiple_of3A_17, 8 : i32
    %add3A_19 = arith.addi %mul3A_2, %multiple_of3A_18 : i32
    %dma_start3A_20 = arith.constant 0 : i32
    %dma_start3A_21 = tpu.memref_slice %arg4[%add3A_19, %dma_start3A_20] : memref<8192x4096xf32, #tpu.memory_space<hbm>> -> memref<8x4096xf32, #tpu.memory_space<hbm>>
    %dma_start3A_22 = arith.constant 0 : i32
    %dma_start3A_23 = tpu.memref_slice %arg4[%add3A_19, %dma_start3A_22] : memref<8192x4096xf32, #tpu.memory_space<hbm>> -> memref<8x4096xf32, #tpu.memory_space<hbm>>
    tpu.enqueue_dma source(%arg6 : memref<8x4096xf32, #tpu.memory_space<vmem>>) target(%dma_start3A_23 : memref<8x4096xf32, #tpu.memory_space<hbm>>) target_semaphore(%arg10 : memref<!tpu.dma_semaphore, #tpu.memory_space<semaphore_mem>>)
    %scan3A = arith.constant 0 : i32
    %scan3A_24 = arith.constant 1 : i32
    %scan3A_25 = arith.constant 15 : i32
    %scan3A_26 = arith.addi %scan3A_24, %scan3A_25 : i32
    %scan3A_27 = arith.constant 1 : i32
    scf.for %scan3A_49 = %scan3A_24 to %scan3A_26 step %scan3A_27  : i32 {
      %mul3A_50 = arith.constant 2 : i32
      %mul3A_51 = arith.muli %scan3A_49, %mul3A_50 : i32
      %add3A_52 = arith.constant 0 : i32
      %add3A_53 = arith.addi %mul3A_51, %add3A_52 : i32
      %dma_wait3A_54 = arith.constant 0 : i32
      %dma_wait3A_55 = tpu.memref_slice %arg4[%mul3A_2, %dma_wait3A_54] : memref<8192x4096xf32, #tpu.memory_space<hbm>> -> memref<8x4096xf32, #tpu.memory_space<hbm>>
      %dma_wait3A_56 = arith.constant 0 : i32
      %dma_wait3A_57 = tpu.memref_slice %arg4[%mul3A_2, %dma_wait3A_56] : memref<8192x4096xf32, #tpu.memory_space<hbm>> -> memref<8x4096xf32, #tpu.memory_space<hbm>>
      tpu.wait_dma2 semaphore(%arg10 : memref<!tpu.dma_semaphore, #tpu.memory_space<semaphore_mem>>) src(%arg6 : memref<8x4096xf32, #tpu.memory_space<vmem>>) dst(%dma_wait3A_57 : memref<8x4096xf32, #tpu.memory_space<hbm>>)
      %mul3A_58 = arith.constant 8 : i32
      %mul3A_59 = arith.muli %add3A_53, %mul3A_58 : i32
      %multiple_of3A_60 = tpu.assume_multiple %mul3A_59, 8 : i32
      %dma_start3A_61 = tpu.memref_slice %arg5[%multiple_of3A_60] : memref<256xi32, #tpu.memory_space<vmem>> -> memref<8xi32, #tpu.memory_space<vmem>>
      %dma_start3A_62 = arith.constant 0 : i32
      %dma_start3A_63 = arith.constant 0 : i32
      %dma_start3A_64 = tpu.memref_slice %arg2[%dma_start3A_62, %dma_start3A_63] : memref<4096x4096xf32, #tpu.memory_space<hbm>> -> memref<4096x4096xf32, #tpu.memory_space<hbm>>
      tpu.enqueue_indirect_dma source(%dma_start3A_64 : memref<4096x4096xf32, #tpu.memory_space<hbm>>) target(%arg6 : memref<8x4096xf32, #tpu.memory_space<vmem>>) offsets(%dma_start3A_61 : memref<8xi32, #tpu.memory_space<vmem>>) semaphore(%arg8 : memref<!tpu.dma_semaphore, #tpu.memory_space<semaphore_mem>>)
      %dma_wait3A_65 = arith.constant 0 : i32
      %dma_wait3A_66 = tpu.memref_slice %arg5[%dma_wait3A_65] : memref<256xi32, #tpu.memory_space<vmem>> -> memref<8xi32, #tpu.memory_space<vmem>>
      %dma_wait3A_67 = arith.constant 0 : i32
      %dma_wait3A_68 = arith.constant 0 : i32
      %dma_wait3A_69 = tpu.memref_slice %arg2[%dma_wait3A_67, %dma_wait3A_68] : memref<4096x4096xf32, #tpu.memory_space<hbm>> -> memref<4096x4096xf32, #tpu.memory_space<hbm>>
      tpu.wait_indirect_dma semaphore(%arg9 : memref<!tpu.dma_semaphore, #tpu.memory_space<semaphore_mem>>) src(%dma_wait3A_69 : memref<4096x4096xf32, #tpu.memory_space<hbm>>) dst(%arg7 : memref<8x4096xf32, #tpu.memory_space<vmem>>)
      %sub3A = arith.constant 1 : i32
      %sub3A_70 = arith.subi %add3A_53, %sub3A : i32
      %mul3A_71 = arith.constant 8 : i32
      %mul3A_72 = arith.muli %sub3A_70, %mul3A_71 : i32
      %multiple_of3A_73 = tpu.assume_multiple %mul3A_72, 8 : i32
      %add3A_74 = arith.addi %mul3A_2, %multiple_of3A_73 : i32
      %dma_start3A_75 = arith.constant 0 : i32
      %dma_start3A_76 = tpu.memref_slice %arg4[%add3A_74, %dma_start3A_75] : memref<8192x4096xf32, #tpu.memory_space<hbm>> -> memref<8x4096xf32, #tpu.memory_space<hbm>>
      %dma_start3A_77 = arith.constant 0 : i32
      %dma_start3A_78 = tpu.memref_slice %arg4[%add3A_74, %dma_start3A_77] : memref<8192x4096xf32, #tpu.memory_space<hbm>> -> memref<8x4096xf32, #tpu.memory_space<hbm>>
      tpu.enqueue_dma source(%arg7 : memref<8x4096xf32, #tpu.memory_space<vmem>>) target(%dma_start3A_78 : memref<8x4096xf32, #tpu.memory_space<hbm>>) target_semaphore(%arg11 : memref<!tpu.dma_semaphore, #tpu.memory_space<semaphore_mem>>)
      %mul3A_79 = arith.constant 2 : i32
      %mul3A_80 = arith.muli %scan3A_49, %mul3A_79 : i32
      %add3A_81 = arith.constant 1 : i32
      %add3A_82 = arith.addi %mul3A_80, %add3A_81 : i32
      %dma_wait3A_83 = arith.constant 0 : i32
      %dma_wait3A_84 = tpu.memref_slice %arg4[%mul3A_2, %dma_wait3A_83] : memref<8192x4096xf32, #tpu.memory_space<hbm>> -> memref<8x4096xf32, #tpu.memory_space<hbm>>
      %dma_wait3A_85 = arith.constant 0 : i32
      %dma_wait3A_86 = tpu.memref_slice %arg4[%mul3A_2, %dma_wait3A_85] : memref<8192x4096xf32, #tpu.memory_space<hbm>> -> memref<8x4096xf32, #tpu.memory_space<hbm>>
      tpu.wait_dma2 semaphore(%arg11 : memref<!tpu.dma_semaphore, #tpu.memory_space<semaphore_mem>>) src(%arg7 : memref<8x4096xf32, #tpu.memory_space<vmem>>) dst(%dma_wait3A_86 : memref<8x4096xf32, #tpu.memory_space<hbm>>)
      %mul3A_87 = arith.constant 8 : i32
      %mul3A_88 = arith.muli %add3A_82, %mul3A_87 : i32
      %multiple_of3A_89 = tpu.assume_multiple %mul3A_88, 8 : i32
      %dma_start3A_90 = tpu.memref_slice %arg5[%multiple_of3A_89] : memref<256xi32, #tpu.memory_space<vmem>> -> memref<8xi32, #tpu.memory_space<vmem>>
      %dma_start3A_91 = arith.constant 0 : i32
      %dma_start3A_92 = arith.constant 0 : i32
      %dma_start3A_93 = tpu.memref_slice %arg2[%dma_start3A_91, %dma_start3A_92] : memref<4096x4096xf32, #tpu.memory_space<hbm>> -> memref<4096x4096xf32, #tpu.memory_space<hbm>>
      tpu.enqueue_indirect_dma source(%dma_start3A_93 : memref<4096x4096xf32, #tpu.memory_space<hbm>>) target(%arg7 : memref<8x4096xf32, #tpu.memory_space<vmem>>) offsets(%dma_start3A_90 : memref<8xi32, #tpu.memory_space<vmem>>) semaphore(%arg9 : memref<!tpu.dma_semaphore, #tpu.memory_space<semaphore_mem>>)
      %dma_wait3A_94 = arith.constant 0 : i32
      %dma_wait3A_95 = tpu.memref_slice %arg5[%dma_wait3A_94] : memref<256xi32, #tpu.memory_space<vmem>> -> memref<8xi32, #tpu.memory_space<vmem>>
      %dma_wait3A_96 = arith.constant 0 : i32
      %dma_wait3A_97 = arith.constant 0 : i32
      %dma_wait3A_98 = tpu.memref_slice %arg2[%dma_wait3A_96, %dma_wait3A_97] : memref<4096x4096xf32, #tpu.memory_space<hbm>> -> memref<4096x4096xf32, #tpu.memory_space<hbm>>
      tpu.wait_indirect_dma semaphore(%arg8 : memref<!tpu.dma_semaphore, #tpu.memory_space<semaphore_mem>>) src(%dma_wait3A_98 : memref<4096x4096xf32, #tpu.memory_space<hbm>>) dst(%arg6 : memref<8x4096xf32, #tpu.memory_space<vmem>>)
      %sub3A_99 = arith.constant 1 : i32
      %sub3A_100 = arith.subi %add3A_82, %sub3A_99 : i32
      %mul3A_101 = arith.constant 8 : i32
      %mul3A_102 = arith.muli %sub3A_100, %mul3A_101 : i32
      %multiple_of3A_103 = tpu.assume_multiple %mul3A_102, 8 : i32
      %add3A_104 = arith.addi %mul3A_2, %multiple_of3A_103 : i32
      %dma_start3A_105 = arith.constant 0 : i32
      %dma_start3A_106 = tpu.memref_slice %arg4[%add3A_104, %dma_start3A_105] : memref<8192x4096xf32, #tpu.memory_space<hbm>> -> memref<8x4096xf32, #tpu.memory_space<hbm>>
      %dma_start3A_107 = arith.constant 0 : i32
      %dma_start3A_108 = tpu.memref_slice %arg4[%add3A_104, %dma_start3A_107] : memref<8192x4096xf32, #tpu.memory_space<hbm>> -> memref<8x4096xf32, #tpu.memory_space<hbm>>
      tpu.enqueue_dma source(%arg6 : memref<8x4096xf32, #tpu.memory_space<vmem>>) target(%dma_start3A_108 : memref<8x4096xf32, #tpu.memory_space<hbm>>) target_semaphore(%arg10 : memref<!tpu.dma_semaphore, #tpu.memory_space<semaphore_mem>>)
    }
    %scan3A_28 = arith.constant 15 : i32
    %dma_wait3A_29 = arith.constant 0 : i32
    %dma_wait3A_30 = tpu.memref_slice %arg5[%dma_wait3A_29] : memref<256xi32, #tpu.memory_space<vmem>> -> memref<8xi32, #tpu.memory_space<vmem>>
    %dma_wait3A_31 = arith.constant 0 : i32
    %dma_wait3A_32 = arith.constant 0 : i32
    %dma_wait3A_33 = tpu.memref_slice %arg2[%dma_wait3A_31, %dma_wait3A_32] : memref<4096x4096xf32, #tpu.memory_space<hbm>> -> memref<4096x4096xf32, #tpu.memory_space<hbm>>
    tpu.wait_indirect_dma semaphore(%arg9 : memref<!tpu.dma_semaphore, #tpu.memory_space<semaphore_mem>>) src(%dma_wait3A_33 : memref<4096x4096xf32, #tpu.memory_space<hbm>>) dst(%arg7 : memref<8x4096xf32, #tpu.memory_space<vmem>>)
    %multiple_of3A_34 = arith.constant 248 : i32
    %multiple_of3A_35 = tpu.assume_multiple %multiple_of3A_34, 8 : i32
    %add3A_36 = arith.addi %mul3A_2, %multiple_of3A_35 : i32
    %dma_start3A_37 = arith.constant 0 : i32
    %dma_start3A_38 = tpu.memref_slice %arg4[%add3A_36, %dma_start3A_37] : memref<8192x4096xf32, #tpu.memory_space<hbm>> -> memref<8x4096xf32, #tpu.memory_space<hbm>>
    %dma_start3A_39 = arith.constant 0 : i32
    %dma_start3A_40 = tpu.memref_slice %arg4[%add3A_36, %dma_start3A_39] : memref<8192x4096xf32, #tpu.memory_space<hbm>> -> memref<8x4096xf32, #tpu.memory_space<hbm>>
    tpu.enqueue_dma source(%arg7 : memref<8x4096xf32, #tpu.memory_space<vmem>>) target(%dma_start3A_40 : memref<8x4096xf32, #tpu.memory_space<hbm>>) target_semaphore(%arg11 : memref<!tpu.dma_semaphore, #tpu.memory_space<semaphore_mem>>)
    %dma_wait3A_41 = arith.constant 0 : i32
    %dma_wait3A_42 = tpu.memref_slice %arg4[%mul3A_2, %dma_wait3A_41] : memref<8192x4096xf32, #tpu.memory_space<hbm>> -> memref<8x4096xf32, #tpu.memory_space<hbm>>
    %dma_wait3A_43 = arith.constant 0 : i32
    %dma_wait3A_44 = tpu.memref_slice %arg4[%mul3A_2, %dma_wait3A_43] : memref<8192x4096xf32, #tpu.memory_space<hbm>> -> memref<8x4096xf32, #tpu.memory_space<hbm>>
    tpu.wait_dma2 semaphore(%arg10 : memref<!tpu.dma_semaphore, #tpu.memory_space<semaphore_mem>>) src(%arg6 : memref<8x4096xf32, #tpu.memory_space<vmem>>) dst(%dma_wait3A_44 : memref<8x4096xf32, #tpu.memory_space<hbm>>)
    %dma_wait3A_45 = arith.constant 0 : i32
    %dma_wait3A_46 = tpu.memref_slice %arg4[%mul3A_2, %dma_wait3A_45] : memref<8192x4096xf32, #tpu.memory_space<hbm>> -> memref<8x4096xf32, #tpu.memory_space<hbm>>
    %dma_wait3A_47 = arith.constant 0 : i32
    %dma_wait3A_48 = tpu.memref_slice %arg4[%mul3A_2, %dma_wait3A_47] : memref<8192x4096xf32, #tpu.memory_space<hbm>> -> memref<8x4096xf32, #tpu.memory_space<hbm>>
    tpu.wait_dma2 semaphore(%arg11 : memref<!tpu.dma_semaphore, #tpu.memory_space<semaphore_mem>>) src(%arg7 : memref<8x4096xf32, #tpu.memory_space<vmem>>) dst(%dma_wait3A_48 : memref<8x4096xf32, #tpu.memory_space<hbm>>)
    return
  }
}

</mosaic_0001>

<sc_bundles>
// kernel: _gather_rows.3.cloned.1.call-start
scs
__scs_entry_jumppad:
0x0: {  	(pc) =	sbr.rel $0x88, $3  }
0x1: {  	(tag) =	ssettag $0x0;
	lr =	simm.s32 $0x1  }
0x2: {  	[smem:$0x3F9F] =	sst lr;
	_ =	strace $0xD0000000  }
0x3: {  	_ = 	snop  }
0x4: {  	_ = 	snop  }
0x5: {  	_ = 	snop  }
0x6: {  	_ = 	snop  }
0x7: {  	_ = 	snop  }
__scs_overlays_trampoline_lowered:
0x8: {  	[smem:$0x3FAE] =	sst s0  }
0x9: {  	[smem:$0x3FAF] =	sst s1  }
0xa: {  	[smem:$0x3FB0] =	sst s2  }
0xb: {  	[smem:$0x3FB1] =	sst s3  }
0xc: {  	[smem:$0x3FB2] =	sst s4  }
0xd: {  	[smem:$0x3FB3] =	sst s5  }
0xe: {  	[smem:$0x3FB4] =	sst s6  }
0xf: {  	[smem:$0x3FB5] =	sst s7  }
0x10: {  	[smem:$0x3FB6] =	sst s8  }
0x11: {  	[smem:$0x3FB7] =	sst s9;
	s0 =	simm.s32 @!p0 $0x0  }
0x12: {  	s1 =	sld [smem:$0x3F9D];
	s0 =	simm.s32 @p0 $0x1  }
0x13: {  	[smem:$0x3FB8] =	sst s0;
	s0 =	simm.s32 @!p1 $0x0  }
0x14: {  	s2 =	sld [smem:$0x3F9C];
	s0 =	simm.s32 @p1 $0x1  }
0x15: {  	[smem:$0x3FB9] =	sst s0;
	s0 =	simm.s32 @!p2 $0x0  }
0x16: {  	s3 =	sld [smem:$0x3FDB];
	s0 =	simm.s32 @p2 $0x1  }
0x17: {  	s4 =	simm.s32 $0x1BF5;
	[smem:$0x3FBB] =	sst s0  }
0x18: {  	s0 =	sld [smem:$0x3F9E];
	_ =	swait.ge [sflag:s4], $0x0  }
0x19: {  	s7 =	sld [smem:$0x3F9F]  }
0x1a: {  	s8 =	sadd.s32 $0xFFFFE003, lr  }
0x1b: {  	s9 =	sadd.s32 $0xFFFFFEF7, lr;
	s5 =	simm.s32 $0xFFFFFFFF;
	p2 =	slt.u32 s8, $0xFFFFF086  }
0x1c: {  	p1 =	slt.u32 s9, $0xF7A;
	s5 =	simm.s32 @!p2 $0x0  }
0x1d: {  	s5 =	simm.s32 @p1 $0x1;
	p0 =	seq.s32 s7, s2  }
0x1e: {  	s7 =	smul.u32 @!p0 $0xF7A, s2;
	p2 =	seq.s32 @!p0 s5, $0x0  }
0x1f: {  	s9 =	smul.u32 $0xF7A, s1;
	s8 =	simm.s32 @!p0 $0x1BF5;
	p2 =	por !p2, p0  }
0x20: {  	[sflag:s8] =	ssyncset.s32 @!p0 $0xFFFFF086;
	s6 =	sadd.s32 @!p0 s3, s7;
	s7 =	simm.s32 @!p0 $0x108  }
0x21: {  	s3 =	sadd.s32 s3, s9;
	s6 =	sadd.s32 @!p0 $0x88, s6;
	s7 =	simm.s32 @p2 $0x1082  }
0x22: {  	[simem:s7], [sflag:s8] =	dma.local @!p0 [hbm:s6], $0xF7A  }
0x23: {  	s9 =	sor.u32 $0xD0000000, s2;
	s6 =	simm.s32 $0x108;
	_ =	swait.ge @!p0 [sflag:s8], $0x0  }
0x24: {  	s3 =	sadd.s32 $0x88, s3;
	s6 =	simm.s32 @!p1 $0x1082;
	[sflag:s4] =	ssyncset.s32 $0xFFFFF086  }
0x25: {  	[simem:s6], [sflag:s4] =	dma.local [hbm:s3], $0xF7A  }
0x26: {  	[smem:$0x3F9F] =	sst s1;
	(tag) =	ssettag s2;
	_ =	strace s9  }
0x27: {  	s1 =	sld [smem:$0x3FAF]  }
0x28: {  	s2 =	sld [smem:$0x3FB0]  }
0x29: {  	s4 =	sld [smem:$0x3FB2]  }
0x2a: {  	p0 =	seq.s32 s5, $0x0;
	s5 =	sld [smem:$0x3FB3]  }
0x2b: {  	s6 =	sld [smem:$0x3FB4]  }
0x2c: {  	s7 =	sld [smem:$0x3FB5]  }
0x2d: {  	s3 =	simm.s32 $0x108;
	s8 =	sld [smem:$0x3FB6]  }
0x2e: {  	s3 =	simm.s32 @!p0 $0x1082;
	s9 =	sld [smem:$0x3FB7]  }
0x2f: {  	lr =	sadd.s32 s0, s3;
	s0 =	sld [smem:$0x3FAE]  }
0x30: {  	s3 =	sld [smem:$0x3FB1]  }
0x31: {  	[smem:$0x3FBA] =	sst s10  }
0x32: {  	s10 =	sld [smem:$0x3FB8];
	_ =	sdelay $0x3  }
0x33: {  	p0 =	seq.s32 s10, $0x1;
	s10 =	sld [smem:$0x3FBA];
	_ =	sdelay $0x3  }
0x34: {  	[smem:$0x3FBA] =	sst s10  }
0x35: {  	s10 =	sld [smem:$0x3FB9];
	_ =	sdelay $0x3  }
0x36: {  	p1 =	seq.s32 s10, $0x1;
	s10 =	sld [smem:$0x3FBA];
	_ =	sdelay $0x3  }
0x37: {  	[smem:$0x3FBA] =	sst s10  }
0x38: {  	s10 =	sld [smem:$0x3FBB]  }
0x39: {  	_ = 	snop;
	(pc) =	sbr.ind lr, $3  }
0x3a: {  	_ = 	snop  }
0x3b: {  	_ = 	snop  }
0x3c: {  	p2 =	seq.s32 s10, $0x1;
	s10 =	sld [smem:$0x3FBA]  }
0x3d: {  	_ =	shalt  }
0x3e: {  	_ =	shalt  }
0x3f: {  	_ =	shalt  }
0x40: {  	_ =	shalt  }
0x41: {  	_ =	shalt  }
0x42: {  	_ =	shalt  }
0x43: {  	_ =	shalt  }
0x44: {  	_ =	shalt  }
0x45: {  	_ =	shalt  }
0x46: {  	_ =	shalt  }
0x47: {  	_ =	shalt  }
0x48: {  	_ =	shalt  }
0x49: {  	_ =	shalt  }
0x4a: {  	_ =	shalt  }
0x4b: {  	_ =	shalt  }
0x4c: {  	_ =	shalt  }
0x4d: {  	_ =	shalt  }
0x4e: {  	_ =	shalt  }
0x4f: {  	_ =	shalt  }
0x50: {  	_ =	shalt  }
0x51: {  	_ =	shalt  }
0x52: {  	_ =	shalt  }
0x53: {  	_ =	shalt  }
0x54: {  	_ =	shalt  }
0x55: {  	_ =	shalt  }
0x56: {  	_ =	shalt  }
0x57: {  	_ =	shalt  }
0x58: {  	_ =	shalt  }
0x59: {  	_ =	shalt  }
0x5a: {  	_ =	shalt  }
0x5b: {  	_ =	shalt  }
0x5c: {  	_ =	shalt  }
0x5d: {  	_ =	shalt  }
0x5e: {  	_ =	shalt  }
0x5f: {  	_ =	shalt  }
0x60: {  	_ =	shalt  }
0x61: {  	_ =	shalt  }
0x62: {  	_ =	shalt  }
0x63: {  	_ =	shalt  }
0x64: {  	_ =	shalt  }
0x65: {  	_ =	shalt  }
0x66: {  	_ =	shalt  }
0x67: {  	_ =	shalt  }
0x68: {  	_ =	shalt  }
0x69: {  	_ =	shalt  }
0x6a: {  	_ =	shalt  }
0x6b: {  	_ =	shalt  }
0x6c: {  	_ =	shalt  }
0x6d: {  	_ =	shalt  }
0x6e: {  	_ =	shalt  }
0x6f: {  	_ =	shalt  }
0x70: {  	_ =	shalt  }
0x71: {  	_ =	shalt  }
0x72: {  	_ =	shalt  }
0x73: {  	_ =	shalt  }
0x74: {  	_ =	shalt  }
0x75: {  	_ =	shalt  }
0x76: {  	_ =	shalt  }
0x77: {  	_ =	shalt  }
0x78: {  	_ =	shalt  }
0x79: {  	_ =	shalt  }
0x7a: {  	_ =	shalt  }
0x7b: {  	_ =	shalt  }
0x7c: {  	_ =	shalt  }
0x7d: {  	_ =	shalt  }
0x7e: {  	_ =	shalt  }
0x7f: {  	_ =	shalt  }
0x80: {  	_ =	shalt  }
0x81: {  	_ =	shalt  }
0x82: {  	_ =	shalt  }
0x83: {  	_ =	shalt  }
0x84: {  	_ =	shalt  }
0x85: {  	_ =	shalt  }
0x86: {  	_ =	shalt  }
0x87: {  	_ =	shalt  }
.Lfunc_end0:
.L_simem_size_0:
called_computation_lowered:
.L_overlay_start_0:
0x88: {  	s2 =	sld [smem:$0x3FD9]  }
0x89: {  	s3 =	sld [smem:$0x3FFE];
	_ =	sdelay $0x1  }
0x8a: {  	s1 =	srdreg.scid  }
0x8b: {  	s0 =	sand.u32 $0x1, s1  }
0x8c: {  	s18 =	sshll.u32 s0, $0xA;
	s2 =	sadd.s32 s3, s2  }
0x8d: {  	s2 =	sadd.s32 s2, s18  }
0x8e: {  	[smem:$0x3FC6] =	sst s2  }
0x8f: {  	_ = 	snop  }
0x90: {  	s2 =	sld [smem:$0x3FC9]  }
0x91: {  	s19 =	sld [smem:$0x3FC8]  }
0x92: {  	s4 =	sld [smem:$0x3FD0];
	(tm) =	ssettm $0x1  }
0x93: {  	s5 =	sld [smem:$0x3FFB];
	_ =	sdelay $0x3  }
0x94: {  	_ =	strace s5  }
0x95: {  	s5 =	sld [smem:$0x3FFC];
	_ =	sdelay $0x3  }
0x96: {  	_ =	strace s5  }
0x97: {  	s5 =	sld [smem:$0x3FFD];
	_ =	sdelay $0x3  }
0x98: {  	_ =	strace s5  }
0x99: {  	_ =	strace $0x8FFFFFFF  }
0x9a: {  	s20 =	sld [smem:$0x3FDB];
	_ =	sdelay $0x1  }
0x9b: {  	s6 =	simm.s32 $_scs_section_size  }
0x9c: {  	s7 =	simm.s32 $_size__tile_overlayer_lowered;
	s8 =	simm.s32 $_tile_overlayer_lowered  }
0x9d: {  	s23 =	simm.s32 $0x1BFF;
	s22 =	sshll.u32 s8, $0x1;
	s5 =	sadd.s32 s6, s20  }
0x9e: {  	s9 =	simm.s32 $0x0;
	s21 =	sshll.u32 s7, $0x1;
	s7 =	sadd.s32 s22, s5  }
0x9f: {  	[timem:s9], [sflag:s23] =	dma.local [hbm:s7], s21  }
0xa0: {  	_ =	swait.ge [sflag:s23], s21  }
0xa1: {  	s6 =	ssub.s32 $0x0, s21;
	[sflag:s23] =	ssyncset.done $0x0  }
0xa2: {  	[sflag:s23] =	ssyncadd.s32 s6;
	_ =	sdelay $0x1  }
0xa3: {  	s24 =	simm.s32 $0x1B8B  }
0xa4: {  	_ =	swait.ge [sflag:s24], $0x1  }
0xa5: {  	[sflag:s24] =	ssyncset.done $0x0  }
0xa6: {  	s25 =	simm.s32 $0x1B8E;
	[sflag:s24] =	ssyncadd.s32 $0xFFFFFFFF  }
0xa7: {  	s26 =	simm.s32 $execute0_lowered;
	[smem:$0x3FD2] =	sst s25  }
0xa8: {  	s6 =	sshll.u32 s26, $0x1;
	_ =	strace $0x80000046;
	[dreg:$0x1] =	wrdreg $0xFFFFFFFF  }
0xa9: {  	s28 =	simm.s32 $_size_execute0_lowered;
	s5 =	sadd.s32 s5, s6;
	[dreg:$0x0] =	wrdreg $0x0  }
0xaa: {  	s6 =	sshll.u32 s28, $0x1;
	[dreg:$0x2] =	wrdreg s5  }
0xab: {  	[dreg:$0x3] =	wrdreg s6  }
0xac: {  	[dreg:$0x4] =	wrdreg $0xC0  }
0xad: {  	_ =	task [dreg:s9], $0x5FFFF  }
0xae: {  	[dreg:$0x1] =	wrdreg $0xFFFFFFFF  }
0xaf: {  	[dreg:$0x0] =	wrdreg $0x60  }
0xb0: {  	[dreg:$0x2] =	wrdreg s2  }
0xb1: {  	[dreg:$0x3] =	wrdreg s19  }
0xb2: {  	[dreg:$0x4] =	wrdreg s4  }
0xb3: {  	[dreg:$0x5] =	wrdreg $0x9  }
0xb4: {  	_ =	task.clear_ibuf [dreg:s9], $0x6FFFF;
	_ =	strace $0x90000046  }
0xb5: {  	s29 =	simm.s32 $0x9;
	_ =	strace $0x80000048  }
0xb6: {  	_ =	swait.ge [sflag:s29], $0x1  }
0xb7: {  	[sflag:s29] =	ssyncadd.s32 $0xFFFFFFFF  }
0xb8: {  	_ =	strace $0x90000048  }
0xb9: {  	_ =	sfence  }
0xba: {  	s30 =	sld [smem:$0x0];
	_ =	sdelay $0x2  }
0xbb: {  	s31 =	sshll.u32 s1, $0xD;
	s1 =	sshrl.u32 s1, $0x2  }
0xbc: {  	s3 =	sand.u32 $0x4000, s31;
	s1 =	sadd.s32 s1, s30  }
0xbd: {  	s0 =	sor.u32 s3, s0;
	s1 =	sshll.u32 s1, $0x11  }
0xbe: {  	s0 =	sor.u32 s1, s0  }
0xbf: {  	s0 =	sadd.s32 $0x8F2B, s0  }
0xc0: {  	[sflag:s0] =	ssyncadd.remote.s32 $0x1  }
0xc1: {  	_ =	sfence.sel $0xFFFF  }
0xc2: {  	[dreg:$0x0] =	wrdreg $0xFFFFFFFF;
	(pc) =	sbr.abs _section_cstart, $3  }
0xc3: {  	[dreg:$0x1] =	wrdreg $0xFFFFFFFF  }
0xc4: {  	_ =	task.clear_ibuf [dreg:s9], $0x2FFFF;
	_ =	strace $0x9FFFFFFF  }
0xc5: {  	(tm) =	ssettm $0x7FFFFFFF  }
tec
execute0_lowered:
.L_overlay_start_1:
0x0: {  	(tag) =	ssettag $0x1  }
0x1: {  	s1 =	rddreg [dreg:$0x0]  }
0x2: {  	s0 =	rddreg [dreg:$0x1]  }
0x3: {  	s2 =	rddreg [dreg:$0x2];
	s4 =	srdreg.scid;
	s3 =	simm.s32 $0x0  }
0x4: {  	s22 =	stileid.u32;
	s28 =	simm.s32 $0x2100;
	s29 =	simm.s32 $0x3900  }
0x5: {  	s31 =	simm.s32 $0x4100;
	s4 =	sand.u32 $0x1, s4;
	s6 =	sshll.u32 s22, $0x9  }
0x6: {  	[smem:$0x7FF] =	sst s3;
	s9 =	sadd.s32 $0x500, s1;
	s10 =	sadd.s32 $0x600, s1  }
0x7: {  	s11 =	sadd.s32 $0x700, s1;
	s12 =	sadd.s32 $0x800, s1;
	s13 =	sadd.s32 $0x900, s1  }
0x8: {  	s14 =	sadd.s32 $0xA00, s1;
	s15 =	sadd.s32 $0xB00, s1;
	s16 =	sadd.s32 $0xC00, s1  }
0x9: {  	s17 =	sadd.s32 $0xD00, s1;
	s18 =	sadd.s32 $0xE00, s1;
	s30 =	smov.u32 s1  }
0xa: {  	s19 =	sadd.s32 $0xF00, s1;
	s26 =	sshll.u32 s22, $0x12;
	s22 =	simm.s32 $0x4  }
0xb: {  	s5 =	ssub.s32 $0x2, s4;
	s7 =	sshll.u32 s4, $0x8;
	_ =	strace $0x80000047  }
0xc: {  	s23 =	sadd.s32 s26, s2;
	s8 =	sshrl.u32 s5, $0x1;
	s20 =	sor.u32 s7, s6  }
0xd: {  	s6 =	sadd.s32 $0x200, s1;
	s7 =	sadd.s32 $0x300, s1;
	s21 =	ssub.s32 s5, s8  }
0xe: {  	s24 =	sshrl.u32 s20, $0x3;
	s5 =	sadd.s32 $0x100, s1;
	s8 =	sadd.s32 $0x400, s1  }
0xf: {  	s25 =	sshll.u32 s20, $0x9;
	s20 =	simm.s32 $0x0;
	s0 =	sadd.s32 s0, s24  }
0x10: {  	s1 =	sadd.s32 s2, s25;
	s24 =	sshll.u32 s4, $0x11;
	[dreg:$0x9] =	wrdreg s20  }
0x11: {  	s26 =	smax.u32 s21, $0x1;
	s2 =	simm.s32 $0x1;
	[dreg:$0x4] =	wrdreg s0  }
0x12: {  	s4 =	simm.s32 $0x3;
	s21 =	simm.s32 $0x2;
	[dreg:$0x5] =	wrdreg s1  }
0x13: {  	s25 =	sadd.s32 $0x1F000, s1;
	[dreg:$0x7] =	wrdreg s26;
	s0 =	sadd.s32 s24, s23  }
0x14: {  	v0 =	vlaneseq.u32;
	s26 =	simm.s32 $0x900;
	s23 =	simm.s32 $0x1100;
	s1 =	simm.s32 $0x3100  }
0x15: {  	v1 =	vshrl.u32 v0, $0x3;
	s24 =	simm.s32 $0x8100;
	[dreg:$0x6] =	wrdreg s25;
	s0 =	sadd.s32 $0x2000, s0  }
0x16: {  	vm0 =	vmmov $0xffff;
	v0 =	vand.u32 $0x7, v0;
	v1 =	vmul.u32 $0x8, v1;
	s25 =	simm.s32 $0x1900;
	[dreg:$0x8] =	wrdreg s0;
	s0 =	simm.s32 $0x2900  }
.LBB2_1:
0x17: {  	s20 =	rddreg [dreg:$0x4]  }
0x18: {  	[tilespmem:s3], [sflag:$0x5] =	stream.linear.gather [hbm4b:s20+s3], $0x100, $0x38;
	[tilespmem:$0x10100] =	vst v63  }
0x19: {  	s20 =	simm.s32 $0x5  }
0x1a: {  	_ =	swait.ge [sflag:s20], $0x100  }
0x1b: {  	[sflag:s20] =	ssyncset.done $0x0  }
0x1c: {  	[sflag:s20] =	ssyncadd.s32 $0xFFFFFF00  }
0x1d: {  	v2 =	vld.msk [tilespmem:$0x0], $0xff;
	_ =	sdelay $0x4  }
0x1e: {  	v3 =	vshll.u32 v2, $0x5  }
0x1f: {  	v2 =	vand.u32 $0x7, v2;
	v3 =	vand.u32 $0xFFFFFF00, v3  }
0x20: {  	v2 =	vor.u32 v2, v3  }
0x21: {  	v2 =	vperm.xlane v2, v0;
	_ =	sdelay $0x1  }
0x22: {  	v2 =	vadd.s32 v1, v2;
	_ =	sdelay $0x3  }
0x23: {  	s20 =	simm.s32 $0x100  }
0x24: {  	[tilespmem:s20], [sflag:$0x1] =	stream.indirect_vreg.gather [hbm4b:s30+s3], $0x80, v2, vm0, $0xb8;
	[tilespmem:$0x10100] =	vst v63  }
0x25: {  	_ = 	snop  }
0x26: {  	[tilespmem:s26], [sflag:$0x1] =	stream.indirect_vreg.gather [hbm4b:s5+s3], $0x80, v2, vm0, $0xb8;
	[tilespmem:$0x10100] =	vst v63  }
0x27: {  	_ = 	snop  }
0x28: {  	[tilespmem:s23], [sflag:$0x1] =	stream.indirect_vreg.gather [hbm4b:s6+s3], $0x80, v2, vm0, $0xb8;
	[tilespmem:$0x10100] =	vst v63  }
0x29: {  	_ = 	snop  }
0x2a: {  	[tilespmem:s25], [sflag:$0x1] =	stream.indirect_vreg.gather [hbm4b:s7+s3], $0x80, v2, vm0, $0xb8;
	[tilespmem:$0x10100] =	vst v63  }
0x2b: {  	_ = 	snop  }
0x2c: {  	[tilespmem:s28], [sflag:$0x1] =	stream.indirect_vreg.gather [hbm4b:s8+s3], $0x80, v2, vm0, $0xb8;
	[tilespmem:$0x10100] =	vst v63  }
0x2d: {  	_ = 	snop  }
0x2e: {  	[tilespmem:s0], [sflag:$0x1] =	stream.indirect_vreg.gather [hbm4b:s9+s3], $0x80, v2, vm0, $0xb8;
	[tilespmem:$0x10100] =	vst v63  }
0x2f: {  	_ = 	snop  }
0x30: {  	[tilespmem:s1], [sflag:$0x1] =	stream.indirect_vreg.gather [hbm4b:s10+s3], $0x80, v2, vm0, $0xb8;
	[tilespmem:$0x10100] =	vst v63  }
0x31: {  	_ = 	snop  }
0x32: {  	[tilespmem:s29], [sflag:$0x1] =	stream.indirect_vreg.gather [hbm4b:s11+s3], $0x80, v2, vm0, $0xb8;
	[tilespmem:$0x10100] =	vst v63  }
0x33: {  	_ = 	snop  }
0x34: {  	[tilespmem:s31], [sflag:$0x1] =	stream.indirect_vreg.gather [hbm4b:s12+s3], $0x80, v2, vm0, $0xb8;
	[tilespmem:$0x10100] =	vst v63  }
0x35: {  	s1 =	simm.s32 $0x4900  }
0x36: {  	[tilespmem:s1], [sflag:$0x1] =	stream.indirect_vreg.gather [hbm4b:s13+s3], $0x80, v2, vm0, $0xb8;
	[tilespmem:$0x10100] =	vst v63  }
0x37: {  	s20 =	simm.s32 $0x5100  }
0x38: {  	[tilespmem:s20], [sflag:$0x1] =	stream.indirect_vreg.gather [hbm4b:s14+s3], $0x80, v2, vm0, $0xb8;
	[tilespmem:$0x10100] =	vst v63  }
0x39: {  	s23 =	simm.s32 $0x5900  }
0x3a: {  	[tilespmem:s23], [sflag:$0x1] =	stream.indirect_vreg.gather [hbm4b:s15+s3], $0x80, v2, vm0, $0xb8;
	[tilespmem:$0x10100] =	vst v63  }
0x3b: {  	s25 =	simm.s32 $0x6100  }
0x3c: {  	[tilespmem:s25], [sflag:$0x1] =	stream.indirect_vreg.gather [hbm4b:s16+s3], $0x80, v2, vm0, $0xb8;
	[tilespmem:$0x10100] =	vst v63  }
0x3d: {  	s1 =	simm.s32 $0x6900  }
0x3e: {  	[tilespmem:s1], [sflag:$0x1] =	stream.indirect_vreg.gather [hbm4b:s17+s3], $0x80, v2, vm0, $0xb8;
	[tilespmem:$0x10100] =	vst v63  }
0x3f: {  	s20 =	simm.s32 $0x7100  }
0x40: {  	[tilespmem:s20], [sflag:$0x1] =	stream.indirect_vreg.gather [hbm4b:s18+s3], $0x80, v2, vm0, $0xb8;
	[tilespmem:$0x10100] =	vst v63  }
0x41: {  	s23 =	simm.s32 $0x7900  }
0x42: {  	[tilespmem:s23], [sflag:$0x1] =	stream.indirect_vreg.gather [hbm4b:s19+s3], $0x80, v2, vm0, $0xb8;
	[tilespmem:$0x10100] =	vst v63  }
0x43: {  	v2 =	vld.msk [tilespmem:$0x8], $0xff;
	_ =	sdelay $0x4  }
0x44: {  	v3 =	vshll.u32 v2, $0x5  }
0x45: {  	v2 =	vand.u32 $0x7, v2;
	v3 =	vand.u32 $0xFFFFFF00, v3  }
0x46: {  	v2 =	vor.u32 v2, v3  }
0x47: {  	v2 =	vperm.xlane v2, v0;
	_ =	sdelay $0x1  }
0x48: {  	v2 =	vadd.s32 v1, v2;
	_ =	sdelay $0x4  }
0x49: {  	[tilespmem:s24], [sflag:$0x2] =	stream.indirect_vreg.gather [hbm4b:s30+s3], $0x80, v2, vm0, $0xb8;
	[tilespmem:$0x10100] =	vst v63  }
0x4a: {  	s24 =	simm.s32 $0x8900  }
0x4b: {  	[tilespmem:s24], [sflag:$0x2] =	stream.indirect_vreg.gather [hbm4b:s5+s3], $0x80, v2, vm0, $0xb8;
	[tilespmem:$0x10100] =	vst v63  }
0x4c: {  	s25 =	simm.s32 $0x9100  }
0x4d: {  	[tilespmem:s25], [sflag:$0x2] =	stream.indirect_vreg.gather [hbm4b:s6+s3], $0x80, v2, vm0, $0xb8;
	[tilespmem:$0x10100] =	vst v63  }
0x4e: {  	s1 =	simm.s32 $0x9900  }
0x4f: {  	[tilespmem:s1], [sflag:$0x2] =	stream.indirect_vreg.gather [hbm4b:s7+s3], $0x80, v2, vm0, $0xb8;
	[tilespmem:$0x10100] =	vst v63  }
0x50: {  	s20 =	simm.s32 $0xA100  }
0x51: {  	[tilespmem:s20], [sflag:$0x2] =	stream.indirect_vreg.gather [hbm4b:s8+s3], $0x80, v2, vm0, $0xb8;
	[tilespmem:$0x10100] =	vst v63  }
0x52: {  	s23 =	simm.s32 $0xA900  }
0x53: {  	[tilespmem:s23], [sflag:$0x2] =	stream.indirect_vreg.gather [hbm4b:s9+s3], $0x80, v2, vm0, $0xb8;
	[tilespmem:$0x10100] =	vst v63  }
0x54: {  	s24 =	simm.s32 $0xB100  }
0x55: {  	[tilespmem:s24], [sflag:$0x2] =	stream.indirect_vreg.gather [hbm4b:s10+s3], $0x80, v2, vm0, $0xb8;
	[tilespmem:$0x10100] =	vst v63  }
0x56: {  	s25 =	simm.s32 $0xB900  }
0x57: {  	[tilespmem:s25], [sflag:$0x2] =	stream.indirect_vreg.gather [hbm4b:s11+s3], $0x80, v2, vm0, $0xb8;
	[tilespmem:$0x10100] =	vst v63  }
0x58: {  	s1 =	simm.s32 $0xC100  }
0x59: {  	[tilespmem:s1], [sflag:$0x2] =	stream.indirect_vreg.gather [hbm4b:s12+s3], $0x80, v2, vm0, $0xb8;
	[tilespmem:$0x10100] =	vst v63  }
0x5a: {  	s20 =	simm.s32 $0xC900  }
0x5b: {  	[tilespmem:s20], [sflag:$0x2] =	stream.indirect_vreg.gather [hbm4b:s13+s3], $0x80, v2, vm0, $0xb8;
	[tilespmem:$0x10100] =	vst v63  }
0x5c: {  	s23 =	simm.s32 $0xD100  }
0x5d: {  	[tilespmem:s23], [sflag:$0x2] =	stream.indirect_vreg.gather [hbm4b:s14+s3], $0x80, v2, vm0, $0xb8;
	[tilespmem:$0x10100] =	vst v63  }
0x5e: {  	s24 =	simm.s32 $0xD900  }
0x5f: {  	[tilespmem:s24], [sflag:$0x2] =	stream.indirect_vreg.gather [hbm4b:s15+s3], $0x80, v2, vm0, $0xb8;
	[tilespmem:$0x10100] =	vst v63  }
0x60: {  	s25 =	simm.s32 $0xE100  }
0x61: {  	[tilespmem:s25], [sflag:$0x2] =	stream.indirect_vreg.gather [hbm4b:s16+s3], $0x80, v2, vm0, $0xb8;
	[tilespmem:$0x10100] =	vst v63  }
0x62: {  	s1 =	simm.s32 $0xE900  }
0x63: {  	[tilespmem:s1], [sflag:$0x2] =	stream.indirect_vreg.gather [hbm4b:s17+s3], $0x80, v2, vm0, $0xb8;
	[tilespmem:$0x10100] =	vst v63  }
0x64: {  	s20 =	simm.s32 $0xF100  }
0x65: {  	[tilespmem:s20], [sflag:$0x2] =	stream.indirect_vreg.gather [hbm4b:s18+s3], $0x80, v2, vm0, $0xb8;
	[tilespmem:$0x10100] =	vst v63  }
0x66: {  	s23 =	simm.s32 $0xF900  }
0x67: {  	[tilespmem:s23], [sflag:$0x2] =	stream.indirect_vreg.gather [hbm4b:s19+s3], $0x80, v2, vm0, $0xb8;
	[tilespmem:$0x10100] =	vst v63  }
0x68: {  	s28 =	simm.s32 $0x4100;
	s29 =	simm.s32 $0x100;
	_ =	swait.ge [sflag:s2], $0x8000  }
0x69: {  	s31 =	simm.s32 $0x3900;
	s25 =	simm.s32 $0x100;
	[sflag:s2] =	ssyncset.done $0x0  }
0x6a: {  	s1 =	simm.s32 $0x3100;
	s24 =	rddreg [dreg:$0x5];
	[sflag:s2] =	ssyncadd.s32 $0xFFFF8000  }
0x6b: {  	[hbm4b:s24+s3] =	stream.linear.scatter [tilespmem:s25], [sflag:$0x3], $0x8000, $0x38;
	[tilespmem:$0x10100] =	vst v63  }
0x6c: {  	s23 =	simm.s32 $0x0;
	s20 =	rddreg [dreg:$0x8];
	s25 =	simm.s32 $0x1900  }
.LBB2_2:
0x6d: {  	_ =	swait.ge [sflag:s4], $0x8000  }
0x6e: {  	[sflag:s4] =	ssyncset.done $0x0  }
0x6f: {  	s24 =	sshra.s32 s23, $0x2;
	[sflag:s4] =	ssyncadd.s32 $0xFFFF8000  }
0x70: {  	v2 =	vld.msk [tilespmem:s24+$0x10], $0xff;
	_ =	sdelay $0x4  }
0x71: {  	v3 =	vshll.u32 v2, $0x5  }
0x72: {  	v2 =	vand.u32 $0x7, v2;
	v3 =	vand.u32 $0xFFFFFF00, v3  }
0x73: {  	v2 =	vor.u32 v2, v3  }
0x74: {  	v2 =	vperm.xlane v2, v0;
	_ =	sdelay $0x1  }
0x75: {  	v2 =	vadd.s32 v1, v2;
	_ =	sdelay $0x4  }
0x76: {  	[tilespmem:s29], [sflag:$0x1] =	stream.indirect_vreg.gather [hbm4b:s30+s3], $0x80, v2, vm0, $0xb8;
	[tilespmem:$0x10100] =	vst v63  }
0x77: {  	_ = 	snop  }
0x78: {  	[tilespmem:s26], [sflag:$0x1] =	stream.indirect_vreg.gather [hbm4b:s5+s3], $0x80, v2, vm0, $0xb8;
	[tilespmem:$0x10100] =	vst v63  }
0x79: {  	s0 =	simm.s32 $0x1100  }
0x7a: {  	[tilespmem:s0], [sflag:$0x1] =	stream.indirect_vreg.gather [hbm4b:s6+s3], $0x80, v2, vm0, $0xb8;
	[tilespmem:$0x10100] =	vst v63  }
0x7b: {  	_ = 	snop  }
0x7c: {  	[tilespmem:s25], [sflag:$0x1] =	stream.indirect_vreg.gather [hbm4b:s7+s3], $0x80, v2, vm0, $0xb8;
	[tilespmem:$0x10100] =	vst v63  }
0x7d: {  	s26 =	simm.s32 $0x2100  }
0x7e: {  	[tilespmem:s26], [sflag:$0x1] =	stream.indirect_vreg.gather [hbm4b:s8+s3], $0x80, v2, vm0, $0xb8;
	[tilespmem:$0x10100] =	vst v63  }
0x7f: {  	s26 =	simm.s32 $0x2900  }
0x80: {  	[tilespmem:s26], [sflag:$0x1] =	stream.indirect_vreg.gather [hbm4b:s9+s3], $0x80, v2, vm0, $0xb8;
	[tilespmem:$0x10100] =	vst v63  }
0x81: {  	_ = 	snop  }
0x82: {  	[tilespmem:s1], [sflag:$0x1] =	stream.indirect_vreg.gather [hbm4b:s10+s3], $0x80, v2, vm0, $0xb8;
	[tilespmem:$0x10100] =	vst v63  }
0x83: {  	_ = 	snop  }
0x84: {  	[tilespmem:s31], [sflag:$0x1] =	stream.indirect_vreg.gather [hbm4b:s11+s3], $0x80, v2, vm0, $0xb8;
	[tilespmem:$0x10100] =	vst v63  }
0x85: {  	_ = 	snop  }
0x86: {  	[tilespmem:s28], [sflag:$0x1] =	stream.indirect_vreg.gather [hbm4b:s12+s3], $0x80, v2, vm0, $0xb8;
	[tilespmem:$0x10100] =	vst v63  }
0x87: {  	s26 =	simm.s32 $0x4900  }
0x88: {  	[tilespmem:s26], [sflag:$0x1] =	stream.indirect_vreg.gather [hbm4b:s13+s3], $0x80, v2, vm0, $0xb8;
	[tilespmem:$0x10100] =	vst v63  }
0x89: {  	s26 =	simm.s32 $0x5100  }
0x8a: {  	[tilespmem:s26], [sflag:$0x1] =	stream.indirect_vreg.gather [hbm4b:s14+s3], $0x80, v2, vm0, $0xb8;
	[tilespmem:$0x10100] =	vst v63  }
0x8b: {  	s26 =	simm.s32 $0x5900  }
0x8c: {  	[tilespmem:s26], [sflag:$0x1] =	stream.indirect_vreg.gather [hbm4b:s15+s3], $0x80, v2, vm0, $0xb8;
	[tilespmem:$0x10100] =	vst v63  }
0x8d: {  	s26 =	simm.s32 $0x6100  }
0x8e: {  	[tilespmem:s26], [sflag:$0x1] =	stream.indirect_vreg.gather [hbm4b:s16+s3], $0x80, v2, vm0, $0xb8;
	[tilespmem:$0x10100] =	vst v63  }
0x8f: {  	s26 =	simm.s32 $0x6900  }
0x90: {  	[tilespmem:s26], [sflag:$0x1] =	stream.indirect_vreg.gather [hbm4b:s17+s3], $0x80, v2, vm0, $0xb8;
	[tilespmem:$0x10100] =	vst v63  }
0x91: {  	s26 =	simm.s32 $0x7100  }
0x92: {  	[tilespmem:s26], [sflag:$0x1] =	stream.indirect_vreg.gather [hbm4b:s18+s3], $0x80, v2, vm0, $0xb8;
	[tilespmem:$0x10100] =	vst v63  }
0x93: {  	s26 =	simm.s32 $0x7900  }
0x94: {  	[tilespmem:s26], [sflag:$0x1] =	stream.indirect_vreg.gather [hbm4b:s19+s3], $0x80, v2, vm0, $0xb8;
	[tilespmem:$0x10100] =	vst v63  }
0x95: {  	_ =	swait.ge [sflag:s21], $0x8000  }
0x96: {  	[sflag:s21] =	ssyncset.done $0x0  }
0x97: {  	s0 =	simm.s32 $0x8100;
	s26 =	sadd.s32 $0xFFFFF000, s20;
	[sflag:s21] =	ssyncadd.s32 $0xFFFF8000  }
0x98: {  	[hbm4b:s26+s3] =	stream.linear.scatter [tilespmem:s0], [sflag:$0x4], $0x8000, $0x38;
	[tilespmem:$0x10100] =	vst v63  }
0x99: {  	_ =	swait.ge [sflag:s22], $0x8000  }
0x9a: {  	[sflag:s22] =	ssyncset.done $0x0  }
0x9b: {  	[sflag:s22] =	ssyncadd.s32 $0xFFFF8000  }
0x9c: {  	v2 =	vld.msk [tilespmem:s24+$0x18], $0xff;
	_ =	sdelay $0x4  }
0x9d: {  	v3 =	vshll.u32 v2, $0x5  }
0x9e: {  	v2 =	vand.u32 $0x7, v2;
	v3 =	vand.u32 $0xFFFFFF00, v3  }
0x9f: {  	v2 =	vor.u32 v2, v3  }
0xa0: {  	v2 =	vperm.xlane v2, v0;
	_ =	sdelay $0x1  }
0xa1: {  	v2 =	vadd.s32 v1, v2;
	_ =	sdelay $0x4  }
0xa2: {  	[tilespmem:s0], [sflag:$0x2] =	stream.indirect_vreg.gather [hbm4b:s30+s3], $0x80, v2, vm0, $0xb8;
	[tilespmem:$0x10100] =	vst v63  }
0xa3: {  	s0 =	simm.s32 $0x8900  }
0xa4: {  	[tilespmem:s0], [sflag:$0x2] =	stream.indirect_vreg.gather [hbm4b:s5+s3], $0x80, v2, vm0, $0xb8;
	[tilespmem:$0x10100] =	vst v63  }
0xa5: {  	s0 =	simm.s32 $0x9100  }
0xa6: {  	[tilespmem:s0], [sflag:$0x2] =	stream.indirect_vreg.gather [hbm4b:s6+s3], $0x80, v2, vm0, $0xb8;
	[tilespmem:$0x10100] =	vst v63  }
0xa7: {  	s0 =	simm.s32 $0x9900  }
0xa8: {  	[tilespmem:s0], [sflag:$0x2] =	stream.indirect_vreg.gather [hbm4b:s7+s3], $0x80, v2, vm0, $0xb8;
	[tilespmem:$0x10100] =	vst v63  }
0xa9: {  	s0 =	simm.s32 $0xA100  }
0xaa: {  	[tilespmem:s0], [sflag:$0x2] =	stream.indirect_vreg.gather [hbm4b:s8+s3], $0x80, v2, vm0, $0xb8;
	[tilespmem:$0x10100] =	vst v63  }
0xab: {  	s0 =	simm.s32 $0xA900  }
0xac: {  	[tilespmem:s0], [sflag:$0x2] =	stream.indirect_vreg.gather [hbm4b:s9+s3], $0x80, v2, vm0, $0xb8;
	[tilespmem:$0x10100] =	vst v63  }
0xad: {  	s0 =	simm.s32 $0xB100  }
0xae: {  	[tilespmem:s0], [sflag:$0x2] =	stream.indirect_vreg.gather [hbm4b:s10+s3], $0x80, v2, vm0, $0xb8;
	[tilespmem:$0x10100] =	vst v63  }
0xaf: {  	s0 =	simm.s32 $0xB900  }
0xb0: {  	[tilespmem:s0], [sflag:$0x2] =	stream.indirect_vreg.gather [hbm4b:s11+s3], $0x80, v2, vm0, $0xb8;
	[tilespmem:$0x10100] =	vst v63  }
0xb1: {  	s0 =	simm.s32 $0xC100  }
0xb2: {  	[tilespmem:s0], [sflag:$0x2] =	stream.indirect_vreg.gather [hbm4b:s12+s3], $0x80, v2, vm0, $0xb8;
	[tilespmem:$0x10100] =	vst v63  }
0xb3: {  	s0 =	simm.s32 $0xC900  }
0xb4: {  	[tilespmem:s0], [sflag:$0x2] =	stream.indirect_vreg.gather [hbm4b:s13+s3], $0x80, v2, vm0, $0xb8;
	[tilespmem:$0x10100] =	vst v63  }
0xb5: {  	s0 =	simm.s32 $0xD100  }
0xb6: {  	[tilespmem:s0], [sflag:$0x2] =	stream.indirect_vreg.gather [hbm4b:s14+s3], $0x80, v2, vm0, $0xb8;
	[tilespmem:$0x10100] =	vst v63  }
0xb7: {  	s0 =	simm.s32 $0xD900  }
0xb8: {  	[tilespmem:s0], [sflag:$0x2] =	stream.indirect_vreg.gather [hbm4b:s15+s3], $0x80, v2, vm0, $0xb8;
	[tilespmem:$0x10100] =	vst v63  }
0xb9: {  	s0 =	simm.s32 $0xE100  }
0xba: {  	[tilespmem:s0], [sflag:$0x2] =	stream.indirect_vreg.gather [hbm4b:s16+s3], $0x80, v2, vm0, $0xb8;
	[tilespmem:$0x10100] =	vst v63  }
0xbb: {  	s0 =	simm.s32 $0xE900  }
0xbc: {  	[tilespmem:s0], [sflag:$0x2] =	stream.indirect_vreg.gather [hbm4b:s17+s3], $0x80, v2, vm0, $0xb8;
	[tilespmem:$0x10100] =	vst v63  }
0xbd: {  	s0 =	simm.s32 $0xF100  }
0xbe: {  	[tilespmem:s0], [sflag:$0x2] =	stream.indirect_vreg.gather [hbm4b:s18+s3], $0x80, v2, vm0, $0xb8;
	[tilespmem:$0x10100] =	vst v63  }
0xbf: {  	p0 =	sne.s32 s23, $0x380;
	s0 =	simm.s32 $0xF900  }
0xc0: {  	[tilespmem:s0], [sflag:$0x2] =	stream.indirect_vreg.gather [hbm4b:s19+s3], $0x80, v2, vm0, $0xb8;
	[tilespmem:$0x10100] =	vst v63  }
.Ltmp0:
0xc1: {  	_ =	swait.ge [sflag:s2], $0x8000;
	(pc) =	sbr.rel @p0 .LBB2_2-.Ltmp0, $4  }
0xc2: {  	[sflag:s2] =	ssyncset.done $0x0  }
0xc3: {  	s23 =	sadd.s32 $0x40, s23;
	[sflag:s2] =	ssyncadd.s32 $0xFFFF8000  }
0xc4: {  	[hbm4b:s20+s3] =	stream.linear.scatter [tilespmem:s29], [sflag:$0x3], $0x8000, $0x38;
	[tilespmem:$0x10100] =	vst v63  }
0xc5: {  	s26 =	simm.s32 $0x900;
	s24 =	simm.s32 $0x8100;
	s20 =	sadd.s32 $0x2000, s20  }
0xc6: {  	_ =	swait.ge [sflag:s21], $0x8000  }
0xc7: {  	[sflag:s21] =	ssyncset.done $0x0  }
0xc8: {  	s20 =	rddreg [dreg:$0x6];
	[sflag:s21] =	ssyncadd.s32 $0xFFFF8000  }
0xc9: {  	[hbm4b:s20+s3] =	stream.linear.scatter [tilespmem:s24], [sflag:$0x4], $0x8000, $0x38;
	[tilespmem:$0x10100] =	vst v63  }
0xca: {  	_ =	swait.ge [sflag:s4], $0x8000  }
0xcb: {  	[sflag:s4] =	ssyncset.done $0x0  }
0xcc: {  	[sflag:s4] =	ssyncadd.s32 $0xFFFF8000  }
0xcd: {  	_ =	swait.ge [sflag:s22], $0x8000  }
0xce: {  	s0 =	rddreg [dreg:$0x9]  }
0xcf: {  	s25 =	rddreg [dreg:$0x7];
	s0 =	sadd.s32 $0x1, s0  }
0xd0: {  	p0 =	sne.s32 s0, s25  }
.Ltmp1:
0xd1: {  	_ = 	snop;
	(pc) =	sbr.rel @p0 .LBB2_1-.Ltmp1, $4  }
0xd2: {  	s23 =	simm.s32 $0x1100  }
0xd3: {  	s28 =	simm.s32 $0x2100;
	s1 =	simm.s32 $0x3100;
	[sflag:s22] =	ssyncset.done $0x0  }
0xd4: {  	s29 =	simm.s32 $0x3900;
	s31 =	simm.s32 $0x4100;
	[sflag:s22] =	ssyncadd.s32 $0xFFFF8000  }
0xd5: {  	[dreg:$0x9] =	wrdreg s0;
	s25 =	simm.s32 $0x1900;
	s0 =	simm.s32 $0x2900  }
0xd6: {  	_ =	sfence.sel $0x180000  }
0xd7: {  	[bflag:$0x0] =	sbarrier.arrive $0xFFFF  }
0xd8: {  	_ =	strace $0x90000047  }
0xd9: {  	s0 =	stileid.u32;
	[bflag:$0x2] =	sbarrier.arrive $0xFFFF  }
0xda: {  	p0 =	sne.s32 s0, $0x0;
	s0 =	rddreg [dreg:$0x3]  }
0xdb: {  	s0 =	sadd.s32 @!p0 $0x100000, s0  }
0xdc: {  	[sflag:s0] =	ssyncadd.tile.s32 @!p0 $0x1;
	_ =	shalt  }
.Lfunc_end2:
_tile_overlayer_lowered:
.L_overlay_start_2:
0xdd: {  	(tag) =	ssettag $0x2  }
0xde: {  	s0 =	rddreg [dreg:$0x0];
	s2 =	stileid.u32  }
0xdf: {  	s1 =	rddreg [dreg:$0x1];
	p0 =	sne.s32 s2, $0x0  }
0xe0: {  	s3 =	rddreg [dreg:$0x2];
	[bflag:$0x3] =	sbarrier.arrive $0xFFFF;
	s2 =	simm.s32 @!p0 $0x1C05  }
0xe1: {  	[timem:s3], [sflag:s2] =	dma.local @!p0 [hbm:s0], s1  }
0xe2: {  	s0 =	simm.s32 @!p0 $0x5  }
0xe3: {  	_ =	swait.ge @!p0 [sflag:s0], s1  }
0xe4: {  	s1 =	ssub.s32 @!p0 $0x0, s1;
	[sflag:s0] =	ssyncset.done @!p0 $0x0  }
0xe5: {  	[sflag:s0] =	ssyncadd.s32 @!p0 s1  }
0xe6: {  	[bflag:$0x3] =	sbarrier.arrive $0xFFFF  }
0xe7: {  	_ =	shalt  }

</sc_bundles>
